<compile_context>
chip_gen: v7x
topology: tpu7x:2x2x1
jax: 0.10.2.dev20260603
libtpu: 0.0.44.dev20260713+nightly
codegen_flags: <defaults>
</compile_context>

<pallas_src>
import functools

import jax
import jax.numpy as jnp
from jax import lax
from jax.experimental import pallas as pl
from jax.experimental.pallas import tpu as pltpu
from jax.experimental.pallas import tpu_sc as plsc

_B, _L, _S, _V = 16, 2048, 16384, 50000
_NC, _NS = 2, 16
_NW = _NC * _NS
_CHUNK = _S // _NW
_LANES = 16


def _membership(text_tokens, sub_tokens, sub_batch_ids):
    mesh = plsc.VectorSubcoreMesh(core_axis_name="c", subcore_axis_name="s")

    @functools.partial(
        pl.kernel,
        mesh=mesh,
        out_type=jax.ShapeDtypeStruct((_S,), jnp.bool_),
        compiler_params=pltpu.CompilerParams(needs_layout_passes=False),
        scratch_types=[
            pltpu.VMEM((_V,), jnp.int32),
            pltpu.VMEM((2, _L), jnp.int32),
            pltpu.VMEM((_CHUNK,), jnp.int32),
            pltpu.VMEM((_CHUNK,), jnp.int32),
            pltpu.VMEM((_CHUNK,), jnp.int32),
            pltpu.SemaphoreType.DMA,
            pltpu.SemaphoreType.DMA,
            pltpu.SemaphoreType.DMA,
        ],
    )
    def k(text_hbm, stok_hbm, sid_hbm, out_hbm,
          table, text_v, stok_v, sid_v, out_v, sem_tok, sem_sid, sem_t):
        wid = lax.axis_index("s") * _NC + lax.axis_index("c")
        base = wid * _CHUNK
        cp_sid = pltpu.async_copy(sid_hbm.at[pl.ds(base, _CHUNK)], sid_v, sem_sid)
        cp_tok = pltpu.async_copy(stok_hbm.at[pl.ds(base, _CHUNK)], stok_v, sem_tok)
        cp_sid.wait()

        r_first = sid_v[pl.ds(0, _LANES)][0]
        r_last = sid_v[pl.ds(_CHUNK - _LANES, _LANES)][_LANES - 1]
        pltpu.async_copy(text_hbm.at[r_first], text_v.at[0], sem_t)
        cp_tok.wait()

        zeros = jnp.zeros((_LANES,), jnp.int32)
        lane = lax.iota(jnp.int32, _LANES)

        @plsc.parallel_loop(0, _CHUNK // _LANES, unroll=8)
        def _clear(i):
            st = stok_v[pl.ds(i * _LANES, _LANES)]
            plsc.store_scatter(table, [st], zeros)

        def row_body(r, c):
            sel = (r - r_first) & 1
            tag = r + 1
            tag_vec = zeros + tag
            pltpu.make_async_copy(text_hbm.at[r], text_v.at[sel], sem_t).wait()

            @pl.when(r < r_last)
            def _prefetch():
                pltpu.async_copy(text_hbm.at[r + 1], text_v.at[1 - sel], sem_t)

            @plsc.parallel_loop(0, _L // _LANES, unroll=8)
            def _scatter(i):
                toks = text_v[sel, pl.ds(i * _LANES, _LANES)]
                plsc.store_scatter(table, [toks], tag_vec)

            @plsc.parallel_loop(0, _CHUNK // _LANES, unroll=8)
            def _lookup(i):
                off = i * _LANES
                st = stok_v[pl.ds(off, _LANES)]
                si = sid_v[pl.ds(off, _LANES)]
                g = plsc.load_gather(table, [st])
                found = (g == tag).astype(jnp.int32)
                plsc.store_scatter(out_v, [lane + off], found, mask=si == r)

            return c

        lax.fori_loop(r_first, r_last + 1, row_body, 0)

        pltpu.sync_copy(out_v, out_hbm.at[pl.ds(base, _CHUNK)])

    return k(text_tokens, sub_tokens, sub_batch_ids)


def kernel(text_tokens, sub_tokens, sub_batch_ids):
    return _membership(text_tokens, sub_tokens, sub_batch_ids)

# --- scband reference (transcript-rebuilt; emitter-appended) ---
"""Pipeline reference for scband-sub-token-finder-mask-34626026340858 (READ-ONLY COPY).

The authoritative reference and input builder live on the scoring server;
editing this copy changes nothing except your own understanding.
"""

import jax, jax.numpy as jnp
import numpy as np

# Numeric re-interpretation of SubTokenFinderMask:
# - Original operates on strings: tokenize text (tf.strings.split) and each ragged
#   substring, then for every subtoken check membership in the text's token set
#   (reduce_any over an equality comparison), returning a ragged bool tensor.
# - Here the tokenizer output is represented directly as integer token ids:
#     text_tokens[b, :]   : token ids of text b (dense, length L)
#     sub_tokens[i]       : flat subtoken ids across the whole ragged batch
#     sub_batch_ids[i]    : which batch row subtoken i belongs to (sorted, ragged structure)
# - Output is the flat values of the ragged boolean tensor (token_level_out=True).

B, L, S, V = 16, 2048, 16384, 50000

def setup_inputs(seed: int = 0) -> dict:
    key = jax.random.key(seed)
    k1, k2, k3 = jax.random.split(key, 3)
    text_tokens = jax.random.randint(k1, (B, L), 0, V, dtype=jnp.int32)
    sub_tokens = jax.random.randint(k2, (S,), 0, V, dtype=jnp.int32)
    sub_batch_ids = jnp.sort(jax.random.randint(k3, (S,), 0, B, dtype=jnp.int32))
    return {"text_tokens": text_tokens, "sub_tokens": sub_tokens, "sub_batch_ids": sub_batch_ids}

def reference(text_tokens, sub_tokens, sub_batch_ids):
    # find_token: reduce_any(text_tokens == token), vectorized over all subtokens.
    # Gather the owning text row for each flat subtoken (ragged -> flat map_fn equivalent).
    gathered = jnp.take(text_tokens, sub_batch_ids, axis=0)          # [S, L]
    found = jnp.any(gathered == sub_tokens[:, None], axis=1)         # [S] bool
    # token_level_out=True -> return per-subtoken flat boolean values of the ragged output
    return found

if __name__ == "__main__":
    import jax
    _d = setup_inputs()
    print(jax.jit(kernel)(*tuple(_d.values())))

</pallas_src>

<mosaic_0001>
#map = affine_map<(d0, d1) -> (0, 0)>
#map1 = affine_map<(d0, d1) -> (0)>
module attributes {stable_mosaic.version = 14 : i64} {
  func.func @k(%arg0: i32, %arg1: i32, %arg2: memref<16x2048xi32, #tpu.memory_space<hbm>>, %arg3: memref<16384xi32, #tpu.memory_space<hbm>>, %arg4: memref<16384xi32, #tpu.memory_space<hbm>>, %arg5: memref<16384xi32, #tpu.memory_space<hbm>>, %arg6: memref<50000xi32, #tpu.memory_space<vmem>>, %arg7: memref<2x2048xi32, #tpu.memory_space<vmem>>, %arg8: memref<512xi32, #tpu.memory_space<vmem>>, %arg9: memref<512xi32, #tpu.memory_space<vmem>>, %arg10: memref<512xi32, #tpu.memory_space<vmem>>, %arg11: memref<!tpu.dma_semaphore, #tpu.memory_space<semaphore_mem>>, %arg12: memref<!tpu.dma_semaphore, #tpu.memory_space<semaphore_mem>>, %arg13: memref<!tpu.dma_semaphore, #tpu.memory_space<semaphore_mem>>) attributes {dimension_semantics = [#tpu.dimension_semantics<core_parallel>, #tpu.dimension_semantics<subcore_parallel>], iteration_bounds = array<i64: 2, 16>, scalar_prefetch = 0 : i64, scratch_operands = 8 : i64, tpu.core_type = #tpu.core_type<sc_vector_subcore>, window_params = [{transform_indices = #map}, {transform_indices = #map1}, {transform_indices = #map1}, {transform_indices = #map1}]} {
    %mul3A = arith.constant 2 : i32
    %mul3A_0 = arith.muli %arg1, %mul3A : i32
    %add3A = arith.addi %mul3A_0, %arg0 : i32
    %mul3A_1 = arith.constant 512 : i32
    %mul3A_2 = arith.muli %add3A, %mul3A_1 : i32
    %dma_start3A = tpu.memref_slice %arg4[%mul3A_2] : memref<16384xi32, #tpu.memory_space<hbm>> -> memref<512xi32, #tpu.memory_space<hbm>>
    %dma_start3A_3 = tpu.memref_slice %arg4[%mul3A_2] : memref<16384xi32, #tpu.memory_space<hbm>> -> memref<512xi32, #tpu.memory_space<hbm>>
    tpu.enqueue_dma source(%dma_start3A_3 : memref<512xi32, #tpu.memory_space<hbm>>) target(%arg9 : memref<512xi32, #tpu.memory_space<vmem>>) target_semaphore(%arg12 : memref<!tpu.dma_semaphore, #tpu.memory_space<semaphore_mem>>)
    %dma_start3A_4 = tpu.memref_slice %arg3[%mul3A_2] : memref<16384xi32, #tpu.memory_space<hbm>> -> memref<512xi32, #tpu.memory_space<hbm>>
    %dma_start3A_5 = tpu.memref_slice %arg3[%mul3A_2] : memref<16384xi32, #tpu.memory_space<hbm>> -> memref<512xi32, #tpu.memory_space<hbm>>
    tpu.enqueue_dma source(%dma_start3A_5 : memref<512xi32, #tpu.memory_space<hbm>>) target(%arg8 : memref<512xi32, #tpu.memory_space<vmem>>) target_semaphore(%arg11 : memref<!tpu.dma_semaphore, #tpu.memory_space<semaphore_mem>>)
    %dma_wait3A = tpu.memref_slice %arg4[%mul3A_2] : memref<16384xi32, #tpu.memory_space<hbm>> -> memref<512xi32, #tpu.memory_space<hbm>>
    %dma_wait3A_6 = tpu.memref_slice %arg4[%mul3A_2] : memref<16384xi32, #tpu.memory_space<hbm>> -> memref<512xi32, #tpu.memory_space<hbm>>
    tpu.wait_dma2 semaphore(%arg12 : memref<!tpu.dma_semaphore, #tpu.memory_space<semaphore_mem>>) src(%dma_wait3A_6 : memref<512xi32, #tpu.memory_space<hbm>>) dst(%arg9 : memref<512xi32, #tpu.memory_space<vmem>>)
    %get3A = arith.constant 0 : index
    %get3A_7 = tpu.vector_load %arg9[%get3A] {strides = array<i32>} : memref<512xi32, #tpu.memory_space<vmem>>, vector<16xi32>,
    %slice3A = vector.extract_strided_slice %get3A_7 {offsets = [0], sizes = [1], strides = [1]} : vector<16xi32> to vector<1xi32>
    %squeeze3A = vector.extract %slice3A[0] : i32 from vector<1xi32>
    %get3A_8 = arith.constant 496 : index
    %get3A_9 = tpu.vector_load %arg9[%get3A_8] {strides = array<i32>} : memref<512xi32, #tpu.memory_space<vmem>>, vector<16xi32>,
    %slice3A_10 = vector.extract_strided_slice %get3A_9 {offsets = [15], sizes = [1], strides = [1]} : vector<16xi32> to vector<1xi32>
    %squeeze3A_11 = vector.extract %slice3A_10[0] : i32 from vector<1xi32>
    %dma_start3A_12 = arith.constant 0 : i32
    %dma_start3A_13 = arith.constant 0 : i32
    %dma_start3A_14 = tpu.memref_slice %arg7[%dma_start3A_12, %dma_start3A_13] : memref<2x2048xi32, #tpu.memory_space<vmem>> -> memref<1x2048xi32, #tpu.memory_space<vmem>>
    %dma_start3A_15 = tpu.memref_squeeze %dma_start3A_14 : memref<1x2048xi32, #tpu.memory_space<vmem>> -> memref<2048xi32, #tpu.memory_space<vmem>>
    %dma_start3A_16 = arith.constant 0 : i32
    %dma_start3A_17 = tpu.memref_slice %arg2[%squeeze3A, %dma_start3A_16] : memref<16x2048xi32, #tpu.memory_space<hbm>> -> memref<1x2048xi32, #tpu.memory_space<hbm>>
    %dma_start3A_18 = tpu.memref_squeeze %dma_start3A_17 : memref<1x2048xi32, #tpu.memory_space<hbm>> -> memref<2048xi32, #tpu.memory_space<hbm>>
    %dma_start3A_19 = arith.constant 0 : i32
    %dma_start3A_20 = tpu.memref_slice %arg7[%dma_start3A_12, %dma_start3A_19] : memref<2x2048xi32, #tpu.memory_space<vmem>> -> memref<1x2048xi32, #tpu.memory_space<vmem>>
    %dma_start3A_21 = tpu.memref_squeeze %dma_start3A_20 : memref<1x2048xi32, #tpu.memory_space<vmem>> -> memref<2048xi32, #tpu.memory_space<vmem>>
    %dma_start3A_22 = arith.constant 0 : i32
    %dma_start3A_23 = tpu.memref_slice %arg2[%squeeze3A, %dma_start3A_22] : memref<16x2048xi32, #tpu.memory_space<hbm>> -> memref<1x2048xi32, #tpu.memory_space<hbm>>
    %dma_start3A_24 = tpu.memref_squeeze %dma_start3A_23 : memref<1x2048xi32, #tpu.memory_space<hbm>> -> memref<2048xi32, #tpu.memory_space<hbm>>
    tpu.enqueue_dma source(%dma_start3A_24 : memref<2048xi32, #tpu.memory_space<hbm>>) target(%dma_start3A_21 : memref<2048xi32, #tpu.memory_space<vmem>>) target_semaphore(%arg13 : memref<!tpu.dma_semaphore, #tpu.memory_space<semaphore_mem>>)
    %dma_wait3A_25 = tpu.memref_slice %arg3[%mul3A_2] : memref<16384xi32, #tpu.memory_space<hbm>> -> memref<512xi32, #tpu.memory_space<hbm>>
    %dma_wait3A_26 = tpu.memref_slice %arg3[%mul3A_2] : memref<16384xi32, #tpu.memory_space<hbm>> -> memref<512xi32, #tpu.memory_space<hbm>>
    tpu.wait_dma2 semaphore(%arg11 : memref<!tpu.dma_semaphore, #tpu.memory_space<semaphore_mem>>) src(%dma_wait3A_26 : memref<512xi32, #tpu.memory_space<hbm>>) dst(%arg8 : memref<512xi32, #tpu.memory_space<vmem>>)
    %broadcast_in_dim3A = arith.constant 0 : i32
    %broadcast_in_dim3A_27 = vector.broadcast %broadcast_in_dim3A : i32 to vector<16xi32>
    %iota3A = tpu.iota {dimensions = array<i32: 0>} : vector<16xi32>
    %parallel_loop3A = arith.constant 0 : i32
    %parallel_loop3A_28 = arith.constant 32 : i32
    %parallel_loop3A_29 = arith.constant 1 : i32
    scf.for %parallel_loop3A_40 = %parallel_loop3A to %parallel_loop3A_28 step %parallel_loop3A_29  : i32 {
      %parallel_loop3A_41 = arith.constant 16 : i32
      %parallel_loop3A_42 = arith.muli %parallel_loop3A_40, %parallel_loop3A_41 : i32
      %parallel_loop3A_43 = arith.index_cast %parallel_loop3A_42 : i32 to index
      %parallel_loop3A_44 = tpu.vector_load %arg8[%parallel_loop3A_43] {strides = array<i32>} : memref<512xi32, #tpu.memory_space<vmem>>, vector<16xi32>,
      tpu.vector_store_idx %arg6[%parallel_loop3A_44], %broadcast_in_dim3A_27 : memref<50000xi32, #tpu.memory_space<vmem>>[vector<16xi32>], vector<16xi32>,
    } {sc.loop_unroll_factor = 8 : i64, sc.parallel_access}
    %add3A_30 = arith.constant 1 : i32
    %add3A_31 = arith.addi %squeeze3A_11, %add3A_30 : i32
    %while3A = arith.constant 0 : i32
    %while3A_32 = arith.subi %add3A_31, %squeeze3A : i32
    %while3A_33 = arith.addi %squeeze3A, %while3A_32 : i32
    %while3A_34 = arith.constant 1 : i32
    %while3A_35 = arith.divsi %while3A_32, %while3A_34 : i32
    %while3A_36 = arith.muli %while3A_35, %while3A_34 : i32
    %while3A_37 = arith.addi %squeeze3A, %while3A_36 : i32
    %while3A_38 = arith.constant 1 : i32
    scf.for %while3A_40 = %squeeze3A to %while3A_37 step %while3A_38  : i32 {
      %sub3A = arith.subi %while3A_40, %squeeze3A : i32
      %and3A = arith.constant 1 : i32
      %and3A_41 = arith.andi %sub3A, %and3A : i32
      %add3A_42 = arith.constant 1 : i32
      %add3A_43 = arith.addi %while3A_40, %add3A_42 : i32
      %add3A_44 = vector.broadcast %add3A_43 : i32 to vector<16xi32>
      %add3A_45 = arith.addi %broadcast_in_dim3A_27, %add3A_44 : vector<16xi32>
      %dma_wait3A_46 = arith.constant 0 : i32
      %dma_wait3A_47 = tpu.memref_slice %arg7[%and3A_41, %dma_wait3A_46] : memref<2x2048xi32, #tpu.memory_space<vmem>> -> memref<1x2048xi32, #tpu.memory_space<vmem>>
      %dma_wait3A_48 = tpu.memref_squeeze %dma_wait3A_47 : memref<1x2048xi32, #tpu.memory_space<vmem>> -> memref<2048xi32, #tpu.memory_space<vmem>>
      %dma_wait3A_49 = arith.constant 0 : i32
      %dma_wait3A_50 = tpu.memref_slice %arg2[%while3A_40, %dma_wait3A_49] : memref<16x2048xi32, #tpu.memory_space<hbm>> -> memref<1x2048xi32, #tpu.memory_space<hbm>>
      %dma_wait3A_51 = tpu.memref_squeeze %dma_wait3A_50 : memref<1x2048xi32, #tpu.memory_space<hbm>> -> memref<2048xi32, #tpu.memory_space<hbm>>
      %dma_wait3A_52 = arith.constant 0 : i32
      %dma_wait3A_53 = tpu.memref_slice %arg7[%and3A_41, %dma_wait3A_52] : memref<2x2048xi32, #tpu.memory_space<vmem>> -> memref<1x2048xi32, #tpu.memory_space<vmem>>
      %dma_wait3A_54 = tpu.memref_squeeze %dma_wait3A_53 : memref<1x2048xi32, #tpu.memory_space<vmem>> -> memref<2048xi32, #tpu.memory_space<vmem>>
      %dma_wait3A_55 = arith.constant 0 : i32
      %dma_wait3A_56 = tpu.memref_slice %arg2[%while3A_40, %dma_wait3A_55] : memref<16x2048xi32, #tpu.memory_space<hbm>> -> memref<1x2048xi32, #tpu.memory_space<hbm>>
      %dma_wait3A_57 = tpu.memref_squeeze %dma_wait3A_56 : memref<1x2048xi32, #tpu.memory_space<hbm>> -> memref<2048xi32, #tpu.memory_space<hbm>>
      tpu.wait_dma2 semaphore(%arg13 : memref<!tpu.dma_semaphore, #tpu.memory_space<semaphore_mem>>) src(%dma_wait3A_57 : memref<2048xi32, #tpu.memory_space<hbm>>) dst(%dma_wait3A_54 : memref<2048xi32, #tpu.memory_space<vmem>>)
      %lt3A = arith.cmpi slt, %while3A_40, %squeeze3A_11 : i32
      %convert_element_type3A = arith.extui %lt3A : i1 to i32
      %cond3A = arith.constant 0 : i32
      %cond3A_58 = arith.cmpi ne, %convert_element_type3A, %cond3A : i32
      scf.if %cond3A_58 {
        %add3A_65 = arith.constant 1 : i32
        %add3A_66 = arith.addi %while3A_40, %add3A_65 : i32
        %sub3A_67 = arith.constant 1 : i32
        %sub3A_68 = arith.subi %sub3A_67, %and3A_41 : i32
        %dma_start3A_69 = arith.constant 0 : i32
        %dma_start3A_70 = tpu.memref_slice %arg7[%sub3A_68, %dma_start3A_69] : memref<2x2048xi32, #tpu.memory_space<vmem>> -> memref<1x2048xi32, #tpu.memory_space<vmem>>
        %dma_start3A_71 = tpu.memref_squeeze %dma_start3A_70 : memref<1x2048xi32, #tpu.memory_space<vmem>> -> memref<2048xi32, #tpu.memory_space<vmem>>
        %dma_start3A_72 = arith.constant 0 : i32
        %dma_start3A_73 = tpu.memref_slice %arg2[%add3A_66, %dma_start3A_72] : memref<16x2048xi32, #tpu.memory_space<hbm>> -> memref<1x2048xi32, #tpu.memory_space<hbm>>
        %dma_start3A_74 = tpu.memref_squeeze %dma_start3A_73 : memref<1x2048xi32, #tpu.memory_space<hbm>> -> memref<2048xi32, #tpu.memory_space<hbm>>
        %dma_start3A_75 = arith.constant 0 : i32
        %dma_start3A_76 = tpu.memref_slice %arg7[%sub3A_68, %dma_start3A_75] : memref<2x2048xi32, #tpu.memory_space<vmem>> -> memref<1x2048xi32, #tpu.memory_space<vmem>>
        %dma_start3A_77 = tpu.memref_squeeze %dma_start3A_76 : memref<1x2048xi32, #tpu.memory_space<vmem>> -> memref<2048xi32, #tpu.memory_space<vmem>>
        %dma_start3A_78 = arith.constant 0 : i32
        %dma_start3A_79 = tpu.memref_slice %arg2[%add3A_66, %dma_start3A_78] : memref<16x2048xi32, #tpu.memory_space<hbm>> -> memref<1x2048xi32, #tpu.memory_space<hbm>>
        %dma_start3A_80 = tpu.memref_squeeze %dma_start3A_79 : memref<1x2048xi32, #tpu.memory_space<hbm>> -> memref<2048xi32, #tpu.memory_space<hbm>>
        tpu.enqueue_dma source(%dma_start3A_80 : memref<2048xi32, #tpu.memory_space<hbm>>) target(%dma_start3A_77 : memref<2048xi32, #tpu.memory_space<vmem>>) target_semaphore(%arg13 : memref<!tpu.dma_semaphore, #tpu.memory_space<semaphore_mem>>)
      } else {
      }
      %parallel_loop3A_59 = arith.constant 0 : i32
      %parallel_loop3A_60 = arith.constant 128 : i32
      %parallel_loop3A_61 = arith.constant 1 : i32
      scf.for %parallel_loop3A_65 = %parallel_loop3A_59 to %parallel_loop3A_60 step %parallel_loop3A_61  : i32 {
        %parallel_loop3A_66 = arith.constant 16 : i32
        %parallel_loop3A_67 = arith.muli %parallel_loop3A_65, %parallel_loop3A_66 : i32
        %parallel_loop3A_68 = arith.index_cast %and3A_41 : i32 to index
        %parallel_loop3A_69 = arith.index_cast %parallel_loop3A_67 : i32 to index
        %parallel_loop3A_70 = tpu.vector_load %arg7[%parallel_loop3A_68, %parallel_loop3A_69] {strides = array<i32>} : memref<2x2048xi32, #tpu.memory_space<vmem>>, vector<16xi32>,
        tpu.vector_store_idx %arg6[%parallel_loop3A_70], %add3A_45 : memref<50000xi32, #tpu.memory_space<vmem>>[vector<16xi32>], vector<16xi32>,
      } {sc.loop_unroll_factor = 8 : i64, sc.parallel_access}
      %parallel_loop3A_62 = arith.constant 0 : i32
      %parallel_loop3A_63 = arith.constant 32 : i32
      %parallel_loop3A_64 = arith.constant 1 : i32
      scf.for %parallel_loop3A_65 = %parallel_loop3A_62 to %parallel_loop3A_63 step %parallel_loop3A_64  : i32 {
        %parallel_loop3A_66 = arith.constant 16 : i32
        %parallel_loop3A_67 = arith.muli %parallel_loop3A_65, %parallel_loop3A_66 : i32
        %parallel_loop3A_68 = arith.index_cast %parallel_loop3A_67 : i32 to index
        %parallel_loop3A_69 = tpu.vector_load %arg8[%parallel_loop3A_68] {strides = array<i32>} : memref<512xi32, #tpu.memory_space<vmem>>, vector<16xi32>,
        %parallel_loop3A_70 = arith.index_cast %parallel_loop3A_67 : i32 to index
        %parallel_loop3A_71 = tpu.vector_load %arg9[%parallel_loop3A_70] {strides = array<i32>} : memref<512xi32, #tpu.memory_space<vmem>>, vector<16xi32>,
        %parallel_loop3A_72 = tpu.vector_load_idx %arg6[%parallel_loop3A_69] : memref<50000xi32, #tpu.memory_space<vmem>>[vector<16xi32>], vector<16xi32>,
        %parallel_loop3A_73 = vector.broadcast %add3A_43 : i32 to vector<16xi32>
        %parallel_loop3A_74 = arith.cmpi eq, %parallel_loop3A_72, %parallel_loop3A_73 : vector<16xi32>
        %parallel_loop3A_75 = arith.extui %parallel_loop3A_74 : vector<16xi1> to vector<16xi32>
        %parallel_loop3A_76 = vector.broadcast %parallel_loop3A_67 : i32 to vector<16xi32>
        %parallel_loop3A_77 = arith.addi %iota3A, %parallel_loop3A_76 : vector<16xi32>
        %parallel_loop3A_78 = vector.broadcast %while3A_40 : i32 to vector<16xi32>
        %parallel_loop3A_79 = arith.cmpi eq, %parallel_loop3A_71, %parallel_loop3A_78 : vector<16xi32>
        tpu.vector_store_idx %arg10[%parallel_loop3A_77], %parallel_loop3A_75 masked %parallel_loop3A_79 : memref<512xi32, #tpu.memory_space<vmem>>[vector<16xi32>], vector<16xi32>, vector<16xi1>
      } {sc.loop_unroll_factor = 8 : i64, sc.parallel_access}
    }
    %while3A_39 = arith.constant 1 : i32
    scf.for %while3A_40 = %while3A_37 to %while3A_33 step %while3A_39  : i32 {
      %sub3A = arith.subi %while3A_40, %squeeze3A : i32
      %and3A = arith.constant 1 : i32
      %and3A_41 = arith.andi %sub3A, %and3A : i32
      %add3A_42 = arith.constant 1 : i32
      %add3A_43 = arith.addi %while3A_40, %add3A_42 : i32
      %add3A_44 = vector.broadcast %add3A_43 : i32 to vector<16xi32>
      %add3A_45 = arith.addi %broadcast_in_dim3A_27, %add3A_44 : vector<16xi32>
      %dma_wait3A_46 = arith.constant 0 : i32
      %dma_wait3A_47 = tpu.memref_slice %arg7[%and3A_41, %dma_wait3A_46] : memref<2x2048xi32, #tpu.memory_space<vmem>> -> memref<1x2048xi32, #tpu.memory_space<vmem>>
      %dma_wait3A_48 = tpu.memref_squeeze %dma_wait3A_47 : memref<1x2048xi32, #tpu.memory_space<vmem>> -> memref<2048xi32, #tpu.memory_space<vmem>>
      %dma_wait3A_49 = arith.constant 0 : i32
      %dma_wait3A_50 = tpu.memref_slice %arg2[%while3A_40, %dma_wait3A_49] : memref<16x2048xi32, #tpu.memory_space<hbm>> -> memref<1x2048xi32, #tpu.memory_space<hbm>>
      %dma_wait3A_51 = tpu.memref_squeeze %dma_wait3A_50 : memref<1x2048xi32, #tpu.memory_space<hbm>> -> memref<2048xi32, #tpu.memory_space<hbm>>
      %dma_wait3A_52 = arith.constant 0 : i32
      %dma_wait3A_53 = tpu.memref_slice %arg7[%and3A_41, %dma_wait3A_52] : memref<2x2048xi32, #tpu.memory_space<vmem>> -> memref<1x2048xi32, #tpu.memory_space<vmem>>
      %dma_wait3A_54 = tpu.memref_squeeze %dma_wait3A_53 : memref<1x2048xi32, #tpu.memory_space<vmem>> -> memref<2048xi32, #tpu.memory_space<vmem>>
      %dma_wait3A_55 = arith.constant 0 : i32
      %dma_wait3A_56 = tpu.memref_slice %arg2[%while3A_40, %dma_wait3A_55] : memref<16x2048xi32, #tpu.memory_space<hbm>> -> memref<1x2048xi32, #tpu.memory_space<hbm>>
      %dma_wait3A_57 = tpu.memref_squeeze %dma_wait3A_56 : memref<1x2048xi32, #tpu.memory_space<hbm>> -> memref<2048xi32, #tpu.memory_space<hbm>>
      tpu.wait_dma2 semaphore(%arg13 : memref<!tpu.dma_semaphore, #tpu.memory_space<semaphore_mem>>) src(%dma_wait3A_57 : memref<2048xi32, #tpu.memory_space<hbm>>) dst(%dma_wait3A_54 : memref<2048xi32, #tpu.memory_space<vmem>>)
      %lt3A = arith.cmpi slt, %while3A_40, %squeeze3A_11 : i32
      %convert_element_type3A = arith.extui %lt3A : i1 to i32
      %cond3A = arith.constant 0 : i32
      %cond3A_58 = arith.cmpi ne, %convert_element_type3A, %cond3A : i32
      scf.if %cond3A_58 {
        %add3A_65 = arith.constant 1 : i32
        %add3A_66 = arith.addi %while3A_40, %add3A_65 : i32
        %sub3A_67 = arith.constant 1 : i32
        %sub3A_68 = arith.subi %sub3A_67, %and3A_41 : i32
        %dma_start3A_69 = arith.constant 0 : i32
        %dma_start3A_70 = tpu.memref_slice %arg7[%sub3A_68, %dma_start3A_69] : memref<2x2048xi32, #tpu.memory_space<vmem>> -> memref<1x2048xi32, #tpu.memory_space<vmem>>
        %dma_start3A_71 = tpu.memref_squeeze %dma_start3A_70 : memref<1x2048xi32, #tpu.memory_space<vmem>> -> memref<2048xi32, #tpu.memory_space<vmem>>
        %dma_start3A_72 = arith.constant 0 : i32
        %dma_start3A_73 = tpu.memref_slice %arg2[%add3A_66, %dma_start3A_72] : memref<16x2048xi32, #tpu.memory_space<hbm>> -> memref<1x2048xi32, #tpu.memory_space<hbm>>
        %dma_start3A_74 = tpu.memref_squeeze %dma_start3A_73 : memref<1x2048xi32, #tpu.memory_space<hbm>> -> memref<2048xi32, #tpu.memory_space<hbm>>
        %dma_start3A_75 = arith.constant 0 : i32
        %dma_start3A_76 = tpu.memref_slice %arg7[%sub3A_68, %dma_start3A_75] : memref<2x2048xi32, #tpu.memory_space<vmem>> -> memref<1x2048xi32, #tpu.memory_space<vmem>>
        %dma_start3A_77 = tpu.memref_squeeze %dma_start3A_76 : memref<1x2048xi32, #tpu.memory_space<vmem>> -> memref<2048xi32, #tpu.memory_space<vmem>>
        %dma_start3A_78 = arith.constant 0 : i32
        %dma_start3A_79 = tpu.memref_slice %arg2[%add3A_66, %dma_start3A_78] : memref<16x2048xi32, #tpu.memory_space<hbm>> -> memref<1x2048xi32, #tpu.memory_space<hbm>>
        %dma_start3A_80 = tpu.memref_squeeze %dma_start3A_79 : memref<1x2048xi32, #tpu.memory_space<hbm>> -> memref<2048xi32, #tpu.memory_space<hbm>>
        tpu.enqueue_dma source(%dma_start3A_80 : memref<2048xi32, #tpu.memory_space<hbm>>) target(%dma_start3A_77 : memref<2048xi32, #tpu.memory_space<vmem>>) target_semaphore(%arg13 : memref<!tpu.dma_semaphore, #tpu.memory_space<semaphore_mem>>)
      } else {
      }
      %parallel_loop3A_59 = arith.constant 0 : i32
      %parallel_loop3A_60 = arith.constant 128 : i32
      %parallel_loop3A_61 = arith.constant 1 : i32
      scf.for %parallel_loop3A_65 = %parallel_loop3A_59 to %parallel_loop3A_60 step %parallel_loop3A_61  : i32 {
        %parallel_loop3A_66 = arith.constant 16 : i32
        %parallel_loop3A_67 = arith.muli %parallel_loop3A_65, %parallel_loop3A_66 : i32
        %parallel_loop3A_68 = arith.index_cast %and3A_41 : i32 to index
        %parallel_loop3A_69 = arith.index_cast %parallel_loop3A_67 : i32 to index
        %parallel_loop3A_70 = tpu.vector_load %arg7[%parallel_loop3A_68, %parallel_loop3A_69] {strides = array<i32>} : memref<2x2048xi32, #tpu.memory_space<vmem>>, vector<16xi32>,
        tpu.vector_store_idx %arg6[%parallel_loop3A_70], %add3A_45 : memref<50000xi32, #tpu.memory_space<vmem>>[vector<16xi32>], vector<16xi32>,
      } {sc.loop_unroll_factor = 8 : i64, sc.parallel_access}
      %parallel_loop3A_62 = arith.constant 0 : i32
      %parallel_loop3A_63 = arith.constant 32 : i32
      %parallel_loop3A_64 = arith.constant 1 : i32
      scf.for %parallel_loop3A_65 = %parallel_loop3A_62 to %parallel_loop3A_63 step %parallel_loop3A_64  : i32 {
        %parallel_loop3A_66 = arith.constant 16 : i32
        %parallel_loop3A_67 = arith.muli %parallel_loop3A_65, %parallel_loop3A_66 : i32
        %parallel_loop3A_68 = arith.index_cast %parallel_loop3A_67 : i32 to index
        %parallel_loop3A_69 = tpu.vector_load %arg8[%parallel_loop3A_68] {strides = array<i32>} : memref<512xi32, #tpu.memory_space<vmem>>, vector<16xi32>,
        %parallel_loop3A_70 = arith.index_cast %parallel_loop3A_67 : i32 to index
        %parallel_loop3A_71 = tpu.vector_load %arg9[%parallel_loop3A_70] {strides = array<i32>} : memref<512xi32, #tpu.memory_space<vmem>>, vector<16xi32>,
        %parallel_loop3A_72 = tpu.vector_load_idx %arg6[%parallel_loop3A_69] : memref<50000xi32, #tpu.memory_space<vmem>>[vector<16xi32>], vector<16xi32>,
        %parallel_loop3A_73 = vector.broadcast %add3A_43 : i32 to vector<16xi32>
        %parallel_loop3A_74 = arith.cmpi eq, %parallel_loop3A_72, %parallel_loop3A_73 : vector<16xi32>
        %parallel_loop3A_75 = arith.extui %parallel_loop3A_74 : vector<16xi1> to vector<16xi32>
        %parallel_loop3A_76 = vector.broadcast %parallel_loop3A_67 : i32 to vector<16xi32>
        %parallel_loop3A_77 = arith.addi %iota3A, %parallel_loop3A_76 : vector<16xi32>
        %parallel_loop3A_78 = vector.broadcast %while3A_40 : i32 to vector<16xi32>
        %parallel_loop3A_79 = arith.cmpi eq, %parallel_loop3A_71, %parallel_loop3A_78 : vector<16xi32>
        tpu.vector_store_idx %arg10[%parallel_loop3A_77], %parallel_loop3A_75 masked %parallel_loop3A_79 : memref<512xi32, #tpu.memory_space<vmem>>[vector<16xi32>], vector<16xi32>, vector<16xi1>
      } {sc.loop_unroll_factor = 8 : i64, sc.parallel_access}
    }
    "tpu.region"() ({
      %run_scoped3A = tpu.sem_alloc : memref<!tpu.dma_semaphore, #tpu.memory_space<semaphore_mem>>
      %dma_start3A_40 = tpu.memref_slice %arg5[%mul3A_2] : memref<16384xi32, #tpu.memory_space<hbm>> -> memref<512xi32, #tpu.memory_space<hbm>>
      %dma_start3A_41 = tpu.memref_slice %arg5[%mul3A_2] : memref<16384xi32, #tpu.memory_space<hbm>> -> memref<512xi32, #tpu.memory_space<hbm>>
      tpu.enqueue_dma source(%arg10 : memref<512xi32, #tpu.memory_space<vmem>>) target(%dma_start3A_41 : memref<512xi32, #tpu.memory_space<hbm>>) target_semaphore(%run_scoped3A : memref<!tpu.dma_semaphore, #tpu.memory_space<semaphore_mem>>)
      %dma_wait3A_42 = tpu.memref_slice %arg5[%mul3A_2] : memref<16384xi32, #tpu.memory_space<hbm>> -> memref<512xi32, #tpu.memory_space<hbm>>
      %dma_wait3A_43 = tpu.memref_slice %arg5[%mul3A_2] : memref<16384xi32, #tpu.memory_space<hbm>> -> memref<512xi32, #tpu.memory_space<hbm>>
      tpu.wait_dma2 semaphore(%run_scoped3A : memref<!tpu.dma_semaphore, #tpu.memory_space<semaphore_mem>>) src(%arg10 : memref<512xi32, #tpu.memory_space<vmem>>) dst(%dma_wait3A_43 : memref<512xi32, #tpu.memory_space<hbm>>)
      tpu.yield
    }) : () -> ()
    return
  }
}

</mosaic_0001>

<sc_bundles>
// kernel: kernel.3.cloned.1.call-start
scs
__scs_entry_jumppad:
0x0: {  	(pc) =	sbr.rel $0x88, $3  }
0x1: {  	(tag) =	ssettag $0x0;
	lr =	simm.s32 $0x1  }
0x2: {  	[smem:$0x3F9E] =	sst lr;
	_ =	strace $0xD0000000  }
0x3: {  	_ = 	snop  }
0x4: {  	_ = 	snop  }
0x5: {  	_ = 	snop  }
0x6: {  	_ = 	snop  }
0x7: {  	_ = 	snop  }
__scs_overlays_trampoline_lowered:
0x8: {  	[smem:$0x3FAD] =	sst s0  }
0x9: {  	[smem:$0x3FAE] =	sst s1  }
0xa: {  	[smem:$0x3FAF] =	sst s2  }
0xb: {  	[smem:$0x3FB0] =	sst s3  }
0xc: {  	[smem:$0x3FB1] =	sst s4  }
0xd: {  	[smem:$0x3FB2] =	sst s5  }
0xe: {  	[smem:$0x3FB3] =	sst s6  }
0xf: {  	[smem:$0x3FB4] =	sst s7  }
0x10: {  	[smem:$0x3FB5] =	sst s8  }
0x11: {  	[smem:$0x3FB6] =	sst s9;
	s0 =	simm.s32 @!p0 $0x0  }
0x12: {  	s1 =	sld [smem:$0x3F9C];
	s0 =	simm.s32 @p0 $0x1  }
0x13: {  	[smem:$0x3FB7] =	sst s0;
	s0 =	simm.s32 @!p1 $0x0  }
0x14: {  	s2 =	sld [smem:$0x3F9B];
	s0 =	simm.s32 @p1 $0x1  }
0x15: {  	[smem:$0x3FB8] =	sst s0;
	s0 =	simm.s32 @!p2 $0x0  }
0x16: {  	s3 =	sld [smem:$0x3FDB];
	s0 =	simm.s32 @p2 $0x1  }
0x17: {  	s4 =	simm.s32 $0x1BF5;
	[smem:$0x3FBA] =	sst s0  }
0x18: {  	s0 =	sld [smem:$0x3F9D];
	_ =	swait.ge [sflag:s4], $0x0  }
0x19: {  	s7 =	sld [smem:$0x3F9E]  }
0x1a: {  	s8 =	sadd.s32 $0xFFFFE003, lr  }
0x1b: {  	s9 =	sadd.s32 $0xFFFFFEF7, lr;
	s5 =	simm.s32 $0xFFFFFFFF;
	p2 =	slt.u32 s8, $0xFFFFF086  }
0x1c: {  	p1 =	slt.u32 s9, $0xF7A;
	s5 =	simm.s32 @!p2 $0x0  }
0x1d: {  	s5 =	simm.s32 @p1 $0x1;
	p0 =	seq.s32 s7, s2  }
0x1e: {  	s7 =	smul.u32 @!p0 $0xF7A, s2;
	p2 =	seq.s32 @!p0 s5, $0x0  }
0x1f: {  	s9 =	smul.u32 $0xF7A, s1;
	s8 =	simm.s32 @!p0 $0x1BF5;
	p2 =	por !p2, p0  }
0x20: {  	[sflag:s8] =	ssyncset.s32 @!p0 $0xFFFFF086;
	s6 =	sadd.s32 @!p0 s3, s7;
	s7 =	simm.s32 @!p0 $0x108  }
0x21: {  	s3 =	sadd.s32 s3, s9;
	s6 =	sadd.s32 @!p0 $0x88, s6;
	s7 =	simm.s32 @p2 $0x1082  }
0x22: {  	[simem:s7], [sflag:s8] =	dma.local @!p0 [hbm:s6], $0xF7A  }
0x23: {  	s9 =	sor.u32 $0xD0000000, s2;
	s6 =	simm.s32 $0x108;
	_ =	swait.ge @!p0 [sflag:s8], $0x0  }
0x24: {  	s3 =	sadd.s32 $0x88, s3;
	s6 =	simm.s32 @!p1 $0x1082;
	[sflag:s4] =	ssyncset.s32 $0xFFFFF086  }
0x25: {  	[simem:s6], [sflag:s4] =	dma.local [hbm:s3], $0xF7A  }
0x26: {  	[smem:$0x3F9E] =	sst s1;
	(tag) =	ssettag s2;
	_ =	strace s9  }
0x27: {  	s1 =	sld [smem:$0x3FAE]  }
0x28: {  	s2 =	sld [smem:$0x3FAF]  }
0x29: {  	s4 =	sld [smem:$0x3FB1]  }
0x2a: {  	p0 =	seq.s32 s5, $0x0;
	s5 =	sld [smem:$0x3FB2]  }
0x2b: {  	s6 =	sld [smem:$0x3FB3]  }
0x2c: {  	s7 =	sld [smem:$0x3FB4]  }
0x2d: {  	s3 =	simm.s32 $0x108;
	s8 =	sld [smem:$0x3FB5]  }
0x2e: {  	s3 =	simm.s32 @!p0 $0x1082;
	s9 =	sld [smem:$0x3FB6]  }
0x2f: {  	lr =	sadd.s32 s0, s3;
	s0 =	sld [smem:$0x3FAD]  }
0x30: {  	s3 =	sld [smem:$0x3FB0]  }
0x31: {  	[smem:$0x3FB9] =	sst s10  }
0x32: {  	s10 =	sld [smem:$0x3FB7];
	_ =	sdelay $0x3  }
0x33: {  	p0 =	seq.s32 s10, $0x1;
	s10 =	sld [smem:$0x3FB9];
	_ =	sdelay $0x3  }
0x34: {  	[smem:$0x3FB9] =	sst s10  }
0x35: {  	s10 =	sld [smem:$0x3FB8];
	_ =	sdelay $0x3  }
0x36: {  	p1 =	seq.s32 s10, $0x1;
	s10 =	sld [smem:$0x3FB9];
	_ =	sdelay $0x3  }
0x37: {  	[smem:$0x3FB9] =	sst s10  }
0x38: {  	s10 =	sld [smem:$0x3FBA]  }
0x39: {  	_ = 	snop;
	(pc) =	sbr.ind lr, $3  }
0x3a: {  	_ = 	snop  }
0x3b: {  	_ = 	snop  }
0x3c: {  	p2 =	seq.s32 s10, $0x1;
	s10 =	sld [smem:$0x3FB9]  }
0x3d: {  	_ =	shalt  }
0x3e: {  	_ =	shalt  }
0x3f: {  	_ =	shalt  }
0x40: {  	_ =	shalt  }
0x41: {  	_ =	shalt  }
0x42: {  	_ =	shalt  }
0x43: {  	_ =	shalt  }
0x44: {  	_ =	shalt  }
0x45: {  	_ =	shalt  }
0x46: {  	_ =	shalt  }
0x47: {  	_ =	shalt  }
0x48: {  	_ =	shalt  }
0x49: {  	_ =	shalt  }
0x4a: {  	_ =	shalt  }
0x4b: {  	_ =	shalt  }
0x4c: {  	_ =	shalt  }
0x4d: {  	_ =	shalt  }
0x4e: {  	_ =	shalt  }
0x4f: {  	_ =	shalt  }
0x50: {  	_ =	shalt  }
0x51: {  	_ =	shalt  }
0x52: {  	_ =	shalt  }
0x53: {  	_ =	shalt  }
0x54: {  	_ =	shalt  }
0x55: {  	_ =	shalt  }
0x56: {  	_ =	shalt  }
0x57: {  	_ =	shalt  }
0x58: {  	_ =	shalt  }
0x59: {  	_ =	shalt  }
0x5a: {  	_ =	shalt  }
0x5b: {  	_ =	shalt  }
0x5c: {  	_ =	shalt  }
0x5d: {  	_ =	shalt  }
0x5e: {  	_ =	shalt  }
0x5f: {  	_ =	shalt  }
0x60: {  	_ =	shalt  }
0x61: {  	_ =	shalt  }
0x62: {  	_ =	shalt  }
0x63: {  	_ =	shalt  }
0x64: {  	_ =	shalt  }
0x65: {  	_ =	shalt  }
0x66: {  	_ =	shalt  }
0x67: {  	_ =	shalt  }
0x68: {  	_ =	shalt  }
0x69: {  	_ =	shalt  }
0x6a: {  	_ =	shalt  }
0x6b: {  	_ =	shalt  }
0x6c: {  	_ =	shalt  }
0x6d: {  	_ =	shalt  }
0x6e: {  	_ =	shalt  }
0x6f: {  	_ =	shalt  }
0x70: {  	_ =	shalt  }
0x71: {  	_ =	shalt  }
0x72: {  	_ =	shalt  }
0x73: {  	_ =	shalt  }
0x74: {  	_ =	shalt  }
0x75: {  	_ =	shalt  }
0x76: {  	_ =	shalt  }
0x77: {  	_ =	shalt  }
0x78: {  	_ =	shalt  }
0x79: {  	_ =	shalt  }
0x7a: {  	_ =	shalt  }
0x7b: {  	_ =	shalt  }
0x7c: {  	_ =	shalt  }
0x7d: {  	_ =	shalt  }
0x7e: {  	_ =	shalt  }
0x7f: {  	_ =	shalt  }
0x80: {  	_ =	shalt  }
0x81: {  	_ =	shalt  }
0x82: {  	_ =	shalt  }
0x83: {  	_ =	shalt  }
0x84: {  	_ =	shalt  }
0x85: {  	_ =	shalt  }
0x86: {  	_ =	shalt  }
0x87: {  	_ =	shalt  }
.Lfunc_end0:
.L_simem_size_0:
called_computation_lowered:
.L_overlay_start_0:
0x88: {  	s2 =	sld [smem:$0x3FD9]  }
0x89: {  	s3 =	sld [smem:$0x3FFE];
	_ =	sdelay $0x1  }
0x8a: {  	s1 =	srdreg.scid  }
0x8b: {  	s0 =	sand.u32 $0x1, s1  }
0x8c: {  	s17 =	sshll.u32 s0, $0xA;
	s2 =	sadd.s32 s3, s2  }
0x8d: {  	s2 =	sadd.s32 s2, s17  }
0x8e: {  	[smem:$0x3FC5] =	sst s2  }
0x8f: {  	_ = 	snop  }
0x90: {  	s2 =	sld [smem:$0x3FC9]  }
0x91: {  	s18 =	sld [smem:$0x3FC8]  }
0x92: {  	s4 =	sld [smem:$0x3FC7];
	(tm) =	ssettm $0x1  }
0x93: {  	s5 =	sld [smem:$0x3FFB];
	_ =	sdelay $0x3  }
0x94: {  	_ =	strace s5  }
0x95: {  	s5 =	sld [smem:$0x3FFC];
	_ =	sdelay $0x3  }
0x96: {  	_ =	strace s5  }
0x97: {  	s5 =	sld [smem:$0x3FFD];
	_ =	sdelay $0x3  }
0x98: {  	_ =	strace s5  }
0x99: {  	_ =	strace $0x8FFFFFFF  }
0x9a: {  	s19 =	sld [smem:$0x3FDB];
	_ =	sdelay $0x1  }
0x9b: {  	s6 =	simm.s32 $_scs_section_size  }
0x9c: {  	s7 =	simm.s32 $_size__tile_overlayer_lowered;
	s8 =	simm.s32 $_tile_overlayer_lowered  }
0x9d: {  	s22 =	simm.s32 $0x1BFF;
	s21 =	sshll.u32 s8, $0x1;
	s5 =	sadd.s32 s6, s19  }
0x9e: {  	s9 =	simm.s32 $0x0;
	s20 =	sshll.u32 s7, $0x1;
	s7 =	sadd.s32 s21, s5  }
0x9f: {  	[timem:s9], [sflag:s22] =	dma.local [hbm:s7], s20  }
0xa0: {  	_ =	swait.ge [sflag:s22], s20  }
0xa1: {  	s6 =	ssub.s32 $0x0, s20;
	[sflag:s22] =	ssyncset.done $0x0  }
0xa2: {  	[sflag:s22] =	ssyncadd.s32 s6;
	_ =	sdelay $0x1  }
0xa3: {  	s23 =	simm.s32 $0x1B8B  }
0xa4: {  	_ =	swait.ge [sflag:s23], $0x1  }
0xa5: {  	[sflag:s23] =	ssyncset.done $0x0  }
0xa6: {  	s25 =	simm.s32 $0x1B8E;
	s24 =	sld [smem:$0x3FFE];
	[sflag:s23] =	ssyncadd.s32 $0xFFFFFFFF  }
0xa7: {  	s26 =	simm.s32 $execute0_lowered;
	[smem:$0x3FD2] =	sst s25  }
0xa8: {  	s7 =	sshll.u32 s26, $0x1;
	_ =	strace $0x80000046;
	[dreg:$0x1] =	wrdreg $0xFFFFFFFF  }
0xa9: {  	s28 =	simm.s32 $_size_execute0_lowered;
	s5 =	sadd.s32 s5, s7;
	[dreg:$0x0] =	wrdreg $0x0  }
0xaa: {  	s7 =	sshll.u32 s28, $0x1;
	[dreg:$0x2] =	wrdreg s5  }
0xab: {  	[dreg:$0x3] =	wrdreg s7  }
0xac: {  	[dreg:$0x4] =	wrdreg $0xC0  }
0xad: {  	_ =	task [dreg:s9], $0x5FFFF  }
0xae: {  	[dreg:$0x1] =	wrdreg $0xFFFFFFFF  }
0xaf: {  	[dreg:$0x0] =	wrdreg $0x60  }
0xb0: {  	[dreg:$0x2] =	wrdreg s2  }
0xb1: {  	[dreg:$0x3] =	wrdreg s18  }
0xb2: {  	[dreg:$0x4] =	wrdreg s4  }
0xb3: {  	[dreg:$0x5] =	wrdreg s24  }
0xb4: {  	[dreg:$0x6] =	wrdreg $0x9  }
0xb5: {  	_ =	task.clear_ibuf [dreg:s9], $0x7FFFF;
	_ =	strace $0x90000046  }
0xb6: {  	s29 =	simm.s32 $0x9;
	_ =	strace $0x80000048  }
0xb7: {  	_ =	swait.ge [sflag:s29], $0x1  }
0xb8: {  	[sflag:s29] =	ssyncadd.s32 $0xFFFFFFFF  }
0xb9: {  	_ =	strace $0x90000048  }
0xba: {  	_ =	sfence  }
0xbb: {  	s30 =	sld [smem:$0x0];
	_ =	sdelay $0x2  }
0xbc: {  	s31 =	sshll.u32 s1, $0xD;
	s1 =	sshrl.u32 s1, $0x2  }
0xbd: {  	s3 =	sand.u32 $0x4000, s31;
	s1 =	sadd.s32 s1, s30  }
0xbe: {  	s0 =	sor.u32 s3, s0;
	s1 =	sshll.u32 s1, $0x11  }
0xbf: {  	s0 =	sor.u32 s1, s0  }
0xc0: {  	s0 =	sadd.s32 $0x8F2B, s0  }
0xc1: {  	[sflag:s0] =	ssyncadd.remote.s32 $0x1  }
0xc2: {  	_ =	sfence.sel $0xFFFF  }
0xc3: {  	[dreg:$0x0] =	wrdreg $0xFFFFFFFF;
	(pc) =	sbr.abs _section_cstart, $3  }
0xc4: {  	[dreg:$0x1] =	wrdreg $0xFFFFFFFF  }
0xc5: {  	_ =	task.clear_ibuf [dreg:s9], $0x2FFFF;
	_ =	strace $0x9FFFFFFF  }
0xc6: {  	(tm) =	ssettm $0x7FFFFFFF  }
0xc7: {  	_ =	shalt  }
tec
execute0_lowered:
.L_overlay_start_1:
0x0: {  	(tag) =	ssettag $0x1  }
0x1: {  	s1 =	rddreg [dreg:$0x0]  }
0x2: {  	s0 =	rddreg [dreg:$0x1]  }
0x3: {  	s2 =	rddreg [dreg:$0x2]  }
0x4: {  	s4 =	rddreg [dreg:$0x3]  }
0x5: {  	s3 =	simm.s32 $0x0;
	s5 =	srdreg.scid;
	s6 =	stileid.u32  }
0x6: {  	s10 =	simm.s32 $0x2;
	s21 =	simm.s32 $0xCD80;
	s22 =	simm.s32 $0xCE80  }
0x7: {  	s23 =	simm.s32 $0xCF80;
	s24 =	simm.s32 $0xD080;
	s25 =	simm.s32 $0xD180  }
0x8: {  	s28 =	simm.s32 $0x1;
	s29 =	simm.s32 $0x3;
	s30 =	simm.s32 $0xD780  }
0x9: {  	s31 =	simm.s32 $0x4;
	s5 =	sand.u32 $0x1, s5;
	s6 =	sshll.u32 s6, $0x7  }
.Ltmp0:
0xa: {  	s7 =	sshll.u32 s5, $0x6;
	s5 =	ssub.s32 $0x2, s5;
	(pc) =	sbr.rel .LBB2_1-.Ltmp0, $4  }
0xb: {  	v0 =	vimm.s32 $0x0;
	vm0 =	vcmask $0x300;
	v1 =	vlaneseq.u32;
	[smem:$0x7FF] =	sst s3;
	s6 =	sor.u32 s7, s6;
	s26 =	sshrl.u32 s5, $0x1  }
0xc: {  	v2 =	vsel vm0, $0x7, v0;
	v3 =	vor.u32 $0x10, v1;
	_ =	strace $0x80000047;
	s8 =	sadd.s32 s6, s4;
	s7 =	ssub.s32 s5, s26  }
0xd: {  	v4 =	vor.u32 $0x20, v1;
	v5 =	vor.u32 $0x30, v1;
	v6 =	vor.u32 $0x40, v1;
	s4 =	sadd.s32 s2, s6;
	s5 =	sadd.s32 s0, s6;
	s26 =	simm.s32 $0xD280  }
0xe: {  	v7 =	vor.u32 $0x50, v1;
	v8 =	vor.u32 $0x60, v1;
	v9 =	vor.u32 $0x70, v1;
	s0 =	simm.s32 $0x0;
	s6 =	sadd.s32 $0x400, s8;
	s7 =	smax.u32 s7, $0x1  }
.LBB2_4:
0xf: {  	s0 =	sadd.s32 $0x1, s0  }
0x10: {  	p0 =	sne.s32 s0, s7  }
.Ltmp1:
0x11: {  	_ = 	snop;
	(pc) =	sbr.rel @!p0 .LBB2_5-.Ltmp1, $4  }
0x12: {  	[hbm4b:s6+s3] =	stream.linear.scatter [tilespmem:s30], [sflag:$0x4], $0x200, $0x38;
	[tilespmem:$0xD980] =	vst v63  }
0x13: {  	_ =	swait.ge [sflag:s31], $0x200  }
0x14: {  	[sflag:s31] =	ssyncset.done $0x0  }
0x15: {  	[sflag:s31] =	ssyncadd.s32 $0xFFFFFE00  }
.LBB2_1:
0x16: {  	s2 =	simm.s32 $0xD580  }
0x17: {  	[tilespmem:s2], [sflag:$0x2] =	stream.linear.gather [hbm4b:s4+s3], $0x200, $0x38;
	[tilespmem:$0xD980] =	vst v63  }
0x18: {  	s15 =	simm.s32 $0xD380  }
0x19: {  	[tilespmem:s15], [sflag:$0x1] =	stream.linear.gather [hbm4b:s5+s3], $0x200, $0x38;
	[tilespmem:$0xD980] =	vst v63  }
0x1a: {  	_ =	swait.ge [sflag:s10], $0x200  }
0x1b: {  	[sflag:s10] =	ssyncset.done $0x0  }
0x1c: {  	[sflag:s10] =	ssyncadd.s32 $0xFFFFFE00  }
0x1d: {  	v10 =	vld [tilespmem:$0xD580];
	_ =	sdelay $0x4  }
0x1e: {  	(v2sf) =	vpush v10, $0x0;
	_ =	sdelay $0xe  }
0x1f: {  	s11 =	spop (v2sf)  }
0x20: {  	s16 =	sshll.u32 s11, $0xB;
	s8 =	sshll.u32 s11, $0x7  }
0x21: {  	s2 =	sand.u32 $0xFFFFC000, s16;
	s8 =	sand.u32 $0x380, s8  }
0x22: {  	s2 =	sor.u32 s8, s2  }
0x23: {  	s2 =	sshrl.u32 s2, $0x3  }
0x24: {  	s17 =	simm.s32 $0xC380;
	s2 =	sadd.s32 s1, s2  }
0x25: {  	v10 =	vld [tilespmem:$0xD770];
	[tilespmem:s17], [sflag:$0x3] =	stream.linear.gather [hbm4b:s2+s3], $0x80, $0x38  }
0x26: {  	s9 =	simm.s32 $0xC480;
	s18 =	sadd.s32 $0x80, s2  }
0x27: {  	[tilespmem:s9], [sflag:$0x3] =	stream.linear.gather [hbm4b:s18+s3], $0x80, $0x38;
	[tilespmem:$0xD980] =	vst v63  }
0x28: {  	s20 =	simm.s32 $0xC580;
	s19 =	sadd.s32 $0x100, s2  }
0x29: {  	[tilespmem:s20], [sflag:$0x3] =	stream.linear.gather [hbm4b:s19+s3], $0x80, $0x38;
	[tilespmem:$0xD980] =	vst v63  }
0x2a: {  	s12 =	simm.s32 $0xC680;
	s9 =	sadd.s32 $0x180, s2  }
0x2b: {  	[tilespmem:s12], [sflag:$0x3] =	stream.linear.gather [hbm4b:s9+s3], $0x80, $0x38;
	[tilespmem:$0xD980] =	vst v63  }
0x2c: {  	s14 =	simm.s32 $0xC780;
	s13 =	sadd.s32 $0x200, s2  }
0x2d: {  	[tilespmem:s14], [sflag:$0x3] =	stream.linear.gather [hbm4b:s13+s3], $0x80, $0x38;
	[tilespmem:$0xD980] =	vst v63  }
0x2e: {  	s16 =	simm.s32 $0xC880;
	s15 =	sadd.s32 $0x280, s2  }
0x2f: {  	[tilespmem:s16], [sflag:$0x3] =	stream.linear.gather [hbm4b:s15+s3], $0x80, $0x38;
	[tilespmem:$0xD980] =	vst v63  }
0x30: {  	s17 =	sadd.s32 $0x300, s2;
	s18 =	simm.s32 $0xC980  }
0x31: {  	[tilespmem:s18], [sflag:$0x3] =	stream.linear.gather [hbm4b:s17+s3], $0x80, $0x38;
	[tilespmem:$0xD980] =	vst v63  }
0x32: {  	s19 =	sadd.s32 $0x380, s2;
	s20 =	simm.s32 $0xCA80  }
0x33: {  	[tilespmem:s20], [sflag:$0x3] =	stream.linear.gather [hbm4b:s19+s3], $0x80, $0x38;
	[tilespmem:$0xD980] =	vst v63  }
0x34: {  	s9 =	sadd.s32 $0x400, s2;
	s12 =	simm.s32 $0xCB80  }
0x35: {  	[tilespmem:s12], [sflag:$0x3] =	stream.linear.gather [hbm4b:s9+s3], $0x80, $0x38;
	[tilespmem:$0xD980] =	vst v63  }
0x36: {  	s13 =	sadd.s32 $0x480, s2;
	s14 =	simm.s32 $0xCC80  }
0x37: {  	[tilespmem:s14], [sflag:$0x3] =	stream.linear.gather [hbm4b:s13+s3], $0x80, $0x38;
	[tilespmem:$0xD980] =	vst v63  }
0x38: {  	s15 =	sadd.s32 $0x500, s2  }
0x39: {  	[tilespmem:s21], [sflag:$0x3] =	stream.linear.gather [hbm4b:s15+s3], $0x80, $0x38;
	[tilespmem:$0xD980] =	vst v63  }
0x3a: {  	s16 =	sadd.s32 $0x580, s2  }
0x3b: {  	[tilespmem:s22], [sflag:$0x3] =	stream.linear.gather [hbm4b:s16+s3], $0x80, $0x38;
	[tilespmem:$0xD980] =	vst v63  }
0x3c: {  	s17 =	sadd.s32 $0x600, s2  }
0x3d: {  	[tilespmem:s23], [sflag:$0x3] =	stream.linear.gather [hbm4b:s17+s3], $0x80, $0x38;
	[tilespmem:$0xD980] =	vst v63  }
0x3e: {  	s18 =	sadd.s32 $0x680, s2  }
0x3f: {  	[tilespmem:s24], [sflag:$0x3] =	stream.linear.gather [hbm4b:s18+s3], $0x80, $0x38;
	[tilespmem:$0xD980] =	vst v63  }
0x40: {  	s19 =	sadd.s32 $0x700, s2  }
0x41: {  	[tilespmem:s25], [sflag:$0x3] =	stream.linear.gather [hbm4b:s19+s3], $0x80, $0x38;
	[tilespmem:$0xD980] =	vst v63  }
0x42: {  	s2 =	sadd.s32 $0x780, s2  }
0x43: {  	[tilespmem:s26], [sflag:$0x3] =	stream.linear.gather [hbm4b:s2+s3], $0x80, $0x38;
	[tilespmem:$0xD980] =	vst v63  }
0x44: {  	_ =	swait.ge [sflag:s28], $0x200  }
0x45: {  	[sflag:s28] =	ssyncset.done $0x0  }
0x46: {  	s20 =	simm.s32 $0xD3C0;
	[sflag:s28] =	ssyncadd.s32 $0xFFFFFE00  }
0x47: {  	v14 =	vld [tilespmem:s20+$0x30]  }
0x48: {  	v15 =	vld [tilespmem:s20+$0xFFFFFFD0]  }
0x49: {  	v16 =	vld [tilespmem:s20+$0xFFFFFFE0]  }
0x4a: {  	v17 =	vld [tilespmem:s20+$0xFFFFFFF0]  }
0x4b: {  	v18 =	vld [tilespmem:s20+$0x0]  }
0x4c: {  	v13 =	vld [tilespmem:s20+$0x10]  }
0x4d: {  	v11 =	vld [tilespmem:s20+$0x20]  }
0x4e: {  	s8 =	simm.s32 $0xD440;
	s2 =	simm.s32 $0x0;
	v12 =	vld [tilespmem:s20+$0xFFFFFFC0]  }
.LBB2_2:
0x4f: {  	s2 =	sadd.s32 $0x8, s2;
	[tilespmem:v14+s3+$0x0] =	vst.idx.msk $0xffff, v0;
	v14 =	vld [tilespmem:s8+$0x30]  }
0x50: {  	p0 =	slt.u32 s2, $0x18;
	[tilespmem:v15+s3+$0x0] =	vst.idx.msk $0xffff, v0;
	v15 =	vld [tilespmem:s8+$0xFFFFFFD0]  }
0x51: {  	[tilespmem:v16+s3+$0x0] =	vst.idx.msk $0xffff, v0;
	v16 =	vld [tilespmem:s8+$0xFFFFFFE0]  }
.Ltmp2:
0x52: {  	[tilespmem:v17+s3+$0x0] =	vst.idx.msk $0xffff, v0;
	v17 =	vld [tilespmem:s8+$0xFFFFFFF0];
	(pc) =	sbr.rel @p0 .LBB2_2-.Ltmp2, $4  }
0x53: {  	[tilespmem:v18+s3+$0x0] =	vst.idx.msk $0xffff, v0;
	v18 =	vld [tilespmem:s8+$0x0]  }
0x54: {  	[tilespmem:v13+s3+$0x0] =	vst.idx.msk $0xffff, v0;
	v13 =	vld [tilespmem:s8+$0x10]  }
0x55: {  	[tilespmem:v11+s3+$0x0] =	vst.idx.msk $0xffff, v0;
	v11 =	vld [tilespmem:s8+$0x20]  }
0x56: {  	[tilespmem:v12+s3+$0x0] =	vst.idx.msk $0xffff, v0;
	v12 =	vld [tilespmem:s8+$0xFFFFFFC0];
	s8 =	sadd.s32 $0x80, s8  }
0x57: {  	(v2sf) =	vpush v10, $0xF;
	_ =	sdelay $0xe  }
0x58: {  	[tilespmem:v14+s3+$0x0] =	vst.idx.msk $0xffff, v0;
	s8 =	spop (v2sf)  }
0x59: {  	[tilespmem:v15+s3+$0x0] =	vst.idx.msk $0xffff, v0;
	s2 =	sadd.s32 $0x1, s8  }
0x5a: {  	[tilespmem:v16+s3+$0x0] =	vst.idx.msk $0xffff, v0;
	p1 =	slt.s32 s11, s2  }
.Ltmp3:
0x5b: {  	[tilespmem:v17+s3+$0x0] =	vst.idx.msk $0xffff, v0;
	(pc) =	sbr.rel @!p1 .LBB2_4-.Ltmp3, $4  }
0x5c: {  	[tilespmem:v18+s3+$0x0] =	vst.idx.msk $0xffff, v0  }
0x5d: {  	[tilespmem:v13+s3+$0x0] =	vst.idx.msk $0xffff, v0  }
0x5e: {  	[tilespmem:v11+s3+$0x0] =	vst.idx.msk $0xffff, v0  }
0x5f: {  	p0 =	por $0x0, $0x0;
	s9 =	smov.u32 s11;
	[tilespmem:v12+s3+$0x0] =	vst.idx.msk $0xffff, v0  }
.LBB2_7:
0x60: {  	s2 =	smov.u32 s9  }
0x61: {  	s12 =	ssub.s32 s9, s11;
	s9 =	sadd.s32 $0x1, s9;
	p1 =	sge.s32 s2, s8  }
0x62: {  	_ =	swait.ge [sflag:s29], $0x800;
	s13 =	sshll.u32 @!p1 s9, $0xB;
	s14 =	sshll.u32 @!p1 s9, $0x7  }
0x63: {  	s12 =	sand.u32 $0x1, s12;
	s13 =	sand.u32 @!p1 $0xFFFFC000, s13;
	s14 =	sand.u32 @!p1 $0x380, s14  }
0x64: {  	[sflag:s29] =	ssyncset.done $0x0;
	s12 =	sshll.u32 @!p1 s12, $0x7;
	s13 =	sor.u32 @!p1 s14, s13  }
0x65: {  	[sflag:s29] =	ssyncadd.s32 $0xFFFFF800;
	s12 =	sxor.u32 @!p1 $0x80, s12;
	s13 =	sshrl.u32 @!p1 s13, $0x3  }
0x66: {  	s15 =	simm.s32 @!p1 $0x0;
	s14 =	sadd.s32 @!p1 $0xC380, s12;
	s13 =	sadd.s32 @!p1 s1, s13  }
0x67: {  	[tilespmem:s14], [sflag:$0x3] =	stream.linear.gather @!p1 [hbm4b:s13+s15], $0x80, $0x38;
	[tilespmem:$0xD980] =	vst v63  }
0x68: {  	s16 =	sadd.s32 @!p1 $0xC480, s12;
	s14 =	sadd.s32 @!p1 $0x80, s13  }
0x69: {  	[tilespmem:s16], [sflag:$0x3] =	stream.linear.gather @!p1 [hbm4b:s14+s15], $0x80, $0x38;
	[tilespmem:$0xD980] =	vst v63  }
0x6a: {  	s14 =	sadd.s32 @!p1 $0x100, s13;
	s16 =	sadd.s32 @!p1 $0xC580, s12  }
0x6b: {  	[tilespmem:s16], [sflag:$0x3] =	stream.linear.gather @!p1 [hbm4b:s14+s15], $0x80, $0x38;
	[tilespmem:$0xD980] =	vst v63  }
0x6c: {  	s14 =	sadd.s32 @!p1 $0x180, s13;
	s16 =	sadd.s32 @!p1 $0xC680, s12  }
0x6d: {  	[tilespmem:s16], [sflag:$0x3] =	stream.linear.gather @!p1 [hbm4b:s14+s15], $0x80, $0x38;
	[tilespmem:$0xD980] =	vst v63  }
0x6e: {  	s14 =	sadd.s32 @!p1 $0x200, s13;
	s16 =	sadd.s32 @!p1 $0xC780, s12  }
0x6f: {  	[tilespmem:s16], [sflag:$0x3] =	stream.linear.gather @!p1 [hbm4b:s14+s15], $0x80, $0x38;
	[tilespmem:$0xD980] =	vst v63  }
0x70: {  	s14 =	sadd.s32 @!p1 $0x280, s13;
	s16 =	sadd.s32 @!p1 $0xC880, s12  }
0x71: {  	[tilespmem:s16], [sflag:$0x3] =	stream.linear.gather @!p1 [hbm4b:s14+s15], $0x80, $0x38;
	[tilespmem:$0xD980] =	vst v63  }
0x72: {  	s14 =	sadd.s32 @!p1 $0x300, s13;
	s16 =	sadd.s32 @!p1 $0xC980, s12  }
0x73: {  	[tilespmem:s16], [sflag:$0x3] =	stream.linear.gather @!p1 [hbm4b:s14+s15], $0x80, $0x38;
	[tilespmem:$0xD980] =	vst v63  }
0x74: {  	s14 =	sadd.s32 @!p1 $0x380, s13;
	s16 =	sadd.s32 @!p1 $0xCA80, s12  }
0x75: {  	[tilespmem:s16], [sflag:$0x3] =	stream.linear.gather @!p1 [hbm4b:s14+s15], $0x80, $0x38;
	[tilespmem:$0xD980] =	vst v63  }
0x76: {  	s14 =	sadd.s32 @!p1 $0x400, s13;
	s16 =	sadd.s32 @!p1 $0xCB80, s12  }
0x77: {  	[tilespmem:s16], [sflag:$0x3] =	stream.linear.gather @!p1 [hbm4b:s14+s15], $0x80, $0x38;
	[tilespmem:$0xD980] =	vst v63  }
0x78: {  	s14 =	sadd.s32 @!p1 $0x480, s13;
	s16 =	sadd.s32 @!p1 $0xCC80, s12  }
0x79: {  	[tilespmem:s16], [sflag:$0x3] =	stream.linear.gather @!p1 [hbm4b:s14+s15], $0x80, $0x38;
	[tilespmem:$0xD980] =	vst v63  }
0x7a: {  	s14 =	sadd.s32 @!p1 $0x500, s13;
	s16 =	sadd.s32 @!p1 $0xCD80, s12  }
0x7b: {  	[tilespmem:s16], [sflag:$0x3] =	stream.linear.gather @!p1 [hbm4b:s14+s15], $0x80, $0x38;
	[tilespmem:$0xD980] =	vst v63  }
0x7c: {  	s14 =	sadd.s32 @!p1 $0x580, s13;
	s16 =	sadd.s32 @!p1 $0xCE80, s12  }
0x7d: {  	[tilespmem:s16], [sflag:$0x3] =	stream.linear.gather @!p1 [hbm4b:s14+s15], $0x80, $0x38;
	[tilespmem:$0xD980] =	vst v63  }
0x7e: {  	s14 =	sadd.s32 @!p1 $0x600, s13;
	s16 =	sadd.s32 @!p1 $0xCF80, s12  }
0x7f: {  	[tilespmem:s16], [sflag:$0x3] =	stream.linear.gather @!p1 [hbm4b:s14+s15], $0x80, $0x38;
	[tilespmem:$0xD980] =	vst v63  }
0x80: {  	s14 =	sadd.s32 @!p1 $0x680, s13;
	s16 =	sadd.s32 @!p1 $0xD080, s12  }
0x81: {  	[tilespmem:s16], [sflag:$0x3] =	stream.linear.gather @!p1 [hbm4b:s14+s15], $0x80, $0x38;
	[tilespmem:$0xD980] =	vst v63  }
0x82: {  	s14 =	simm.s32 $0x1  }
0x83: {  	s17 =	sadd.s32 @!p1 $0xD180, s12;
	s16 =	sadd.s32 @!p1 $0x700, s13;
	s14 =	simm.s32 @!p0 $0x0  }
0x84: {  	[tilespmem:s17], [sflag:$0x3] =	stream.linear.gather @!p1 [hbm4b:s16+s15], $0x80, $0x38;
	[tilespmem:$0xD980] =	vst v63  }
0x85: {  	s19 =	sshll.u32 s14, $0x7  }
0x86: {  	s12 =	sadd.s32 @!p1 $0xD280, s12;
	s13 =	sadd.s32 @!p1 $0x780, s13;
	s20 =	sadd.s32 $0xC3C0, s19  }
0x87: {  	[tilespmem:s12], [sflag:$0x3] =	stream.linear.gather @!p1 [hbm4b:s13+s15], $0x80, $0x38;
	[tilespmem:$0xD980] =	vst v63  }
0x88: {  	v11 =	vld [tilespmem:s20+$0x30]  }
0x89: {  	v12 =	vld [tilespmem:s20+$0xFFFFFFD0]  }
0x8a: {  	v13 =	vld [tilespmem:s20+$0xFFFFFFE0]  }
0x8b: {  	v14 =	vld [tilespmem:s20+$0xFFFFFFF0]  }
0x8c: {  	v15 =	vld [tilespmem:s20+$0x0]  }
0x8d: {  	v16 =	vld [tilespmem:s20+$0x10]  }
0x8e: {  	v17 =	vld [tilespmem:s20+$0x20]  }
0x8f: {  	v10 =	vmov s9;
	s12 =	simm.s32 $0x0;
	s13 =	sadd.s32 $0x100, s20;
	v18 =	vld [tilespmem:s20+$0xFFFFFFC0]  }
.LBB2_8:
0x90: {  	s12 =	sadd.s32 $0x8, s12;
	[tilespmem:v11+s3+$0x0] =	vst.idx.msk $0xffff, v10;
	v11 =	vld [tilespmem:s13+$0x30]  }
0x91: {  	p1 =	slt.u32 s12, $0x78;
	[tilespmem:v12+s3+$0x0] =	vst.idx.msk $0xffff, v10;
	v12 =	vld [tilespmem:s13+$0xFFFFFFD0]  }
0x92: {  	[tilespmem:v13+s3+$0x0] =	vst.idx.msk $0xffff, v10;
	v13 =	vld [tilespmem:s13+$0xFFFFFFE0]  }
.Ltmp4:
0x93: {  	[tilespmem:v14+s3+$0x0] =	vst.idx.msk $0xffff, v10;
	v14 =	vld [tilespmem:s13+$0xFFFFFFF0];
	(pc) =	sbr.rel @p1 .LBB2_8-.Ltmp4, $4  }
0x94: {  	[tilespmem:v15+s3+$0x0] =	vst.idx.msk $0xffff, v10;
	v15 =	vld [tilespmem:s13+$0x0]  }
0x95: {  	[tilespmem:v16+s3+$0x0] =	vst.idx.msk $0xffff, v10;
	v16 =	vld [tilespmem:s13+$0x10]  }
0x96: {  	[tilespmem:v17+s3+$0x0] =	vst.idx.msk $0xffff, v10;
	v17 =	vld [tilespmem:s13+$0x20]  }
0x97: {  	[tilespmem:v18+s3+$0x0] =	vst.idx.msk $0xffff, v10;
	v18 =	vld [tilespmem:s13+$0xFFFFFFC0];
	s13 =	sadd.s32 $0x100, s13  }
0x98: {  	_ =	sdelay $0x3  }
0x99: {  	[tilespmem:v11+s3+$0x0] =	vst.idx.msk $0xffff, v10  }
0x9a: {  	[tilespmem:v12+s3+$0x0] =	vst.idx.msk $0xffff, v10  }
0x9b: {  	[tilespmem:v13+s3+$0x0] =	vst.idx.msk $0xffff, v10  }
0x9c: {  	[tilespmem:v14+s3+$0x0] =	vst.idx.msk $0xffff, v10  }
0x9d: {  	[tilespmem:v15+s3+$0x0] =	vst.idx.msk $0xffff, v10  }
0x9e: {  	[tilespmem:v16+s3+$0x0] =	vst.idx.msk $0xffff, v10  }
0x9f: {  	[tilespmem:v17+s3+$0x0] =	vst.idx.msk $0xffff, v10  }
0xa0: {  	s14 =	simm.s32 $0xD3C0;
	[tilespmem:v18+s3+$0x0] =	vst.idx.msk $0xffff, v10  }
0xa1: {  	v12 =	vld [tilespmem:s14+$0x30]  }
0xa2: {  	v13 =	vld [tilespmem:s14+$0xFFFFFFC0]  }
0xa3: {  	v14 =	vld [tilespmem:s14+$0xFFFFFFD0]  }
0xa4: {  	v15 =	vld [tilespmem:s14+$0xFFFFFFE0]  }
0xa5: {  	s12 =	simm.s32 $0x70;
	s13 =	simm.s32 $0xD5C0;
	v16 =	vld [tilespmem:s14+$0xFFFFFFF0]  }
0xa6: {  	v19 =	vmov s12;
	v17 =	vld [tilespmem:s13+$0x30]  }
0xa7: {  	s15 =	simm.s32 $0x10;
	v19 =	vshrl.u32 v19, $0x7;
	v18 =	vld [tilespmem:s14+$0x0]  }
0xa8: {  	v11 =	vmov s2;
	s16 =	simm.s32 $0x20;
	s17 =	simm.s32 $0x30;
	v20 =	vmov s15;
	v19 =	vshll.u32 v19, v2;
	v22 =	vld [tilespmem:s14+$0x10]  }
0xa9: {  	s19 =	simm.s32 $0x50;
	s18 =	simm.s32 $0x0;
	s20 =	simm.s32 $0x60;
	v21 =	vmov s16;
	v23 =	vmov s17;
	v19 =	vbroadcast v19, $0x0;
	v27 =	vld [tilespmem:s14+$0x20]  }
0xaa: {  	s16 =	simm.s32 $0x40;
	v25 =	vmov s18;
	v26 =	vmov s19;
	v28 =	vmov s20;
	v12 =	vld.idx.msk [tilespmem:v12+s3+$0x0], $0xffff  }
0xab: {  	v24 =	vmov s16;
	v29 =	vor.u32 v9, v19;
	v19 =	vshrl.u32 v23, $0x7;
	v13 =	vld.idx.msk [tilespmem:v13+s3+$0x0], $0xffff  }
0xac: {  	v25 =	vshrl.u32 v25, $0x7;
	v23 =	vshrl.u32 v26, $0x7;
	v26 =	vshll.u32 v19, v2;
	v14 =	vld.idx.msk [tilespmem:v14+s3+$0x0], $0xffff  }
0xad: {  	vm0 =	veq.s32 v17, v11;
	v17 =	vshrl.u32 v20, $0x7;
	v20 =	vshrl.u32 v21, $0x7;
	v15 =	vld.idx.msk [tilespmem:v15+s3+$0x0], $0xffff  }
0xae: {  	v21 =	vshrl.u32 v24, $0x7;
	v24 =	vshll.u32 v25, v2;
	v17 =	vshll.u32 v17, v2;
	v25 =	vld.idx.msk [tilespmem:v16+s3+$0x0], $0xffff  }
0xaf: {  	v20 =	vshll.u32 v20, v2;
	v33 =	vbroadcast v24, $0x0;
	v16 =	vshrl.u32 v28, $0x7;
	v28 =	vld.idx.msk [tilespmem:v18+s3+$0x0], $0xffff  }
0xb0: {  	v19 =	vbroadcast v20, $0x0;
	v30 =	vld.idx.msk [tilespmem:v22+s3+$0x0], $0xffff;
	v22 =	vshll.u32 v23, v2;
	v18 =	vbroadcast v17, $0x0  }
0xb1: {  	v32 =	vld [tilespmem:s13+$0xFFFFFFC0];
	v17 =	vshll.u32 v16, v2;
	v16 =	vbroadcast v26, $0x0;
	v20 =	vbroadcast v22, $0x0  }
0xb2: {  	v35 =	vld [tilespmem:s13+$0xFFFFFFD0];
	v22 =	vbroadcast v17, $0x0;
	vm1 =	veq.s32 v12, v10;
	v12 =	vshll.u32 v21, v2  }
0xb3: {  	v34 =	vld.idx.msk [tilespmem:v27+s3+$0x0], $0xffff;
	vm2 =	veq.s32 v14, v10;
	vm3 =	veq.s32 v15, v10;
	v31 =	vsel vm1, $0x1, v0  }
0xb4: {  	v24 =	vld [tilespmem:s13+$0xFFFFFFE0];
	vm1 =	veq.s32 v13, v10;
	v21 =	vbroadcast v12, $0x0;
	v17 =	vsel vm2, $0x1, v0  }
0xb5: {  	vm2 =	veq.s32 v28, v10;
	v23 =	vsel vm1, $0x1, v0;
	vm1 =	veq.s32 v25, v10;
	v25 =	vld [tilespmem:s13+$0xFFFFFFF0]  }
0xb6: {  	v26 =	vld [tilespmem:s13+$0x0];
	v15 =	vsel vm3, $0x1, v0;
	v28 =	vor.u32 v1, v33;
	[tilespmem:v29+s30+$0x0] =	vst.idx.msk vm0, v31;
	vm0 =	veq.s32 v32, v11  }
0xb7: {  	v27 =	vld [tilespmem:s13+$0x10];
	v14 =	vsel vm2, $0x1, v0;
	v13 =	vsel vm1, $0x1, v0;
	vm1 =	veq.s32 v30, v10  }
0xb8: {  	s15 =	simm.s32 $0xD440;
	s14 =	simm.s32 $0x0;
	v29 =	vld [tilespmem:s13+$0x20];
	vm2 =	veq.s32 v34, v10;
	v12 =	vsel vm1, $0x1, v0;
	vm1 =	veq.s32 v35, v11  }
.LBB2_10:
0xb9: {  	v30 =	vld [tilespmem:s15+$0x30];
	s14 =	sadd.s32 $0x8, s14;
	v18 =	vor.u32 v3, v18;
	vm5 =	veq.s32 v24, v11;
	v24 =	vsel vm2, $0x1, v0  }
0xba: {  	v19 =	vor.u32 v4, v19;
	v16 =	vor.u32 v5, v16;
	v31 =	vld [tilespmem:s15+$0xFFFFFFC0];
	p1 =	slt.u32 s14, $0x18;
	vm4 =	veq.s32 v25, v11  }
0xbb: {  	v21 =	vor.u32 v6, v21;
	v20 =	vor.u32 v7, v20;
	v25 =	vld [tilespmem:s15+$0xFFFFFFD0];
	vm3 =	veq.s32 v26, v11  }
0xbc: {  	v22 =	vor.u32 v8, v22;
	v26 =	vld [tilespmem:s15+$0xFFFFFFE0];
	vm2 =	veq.s32 v27, v11  }
0xbd: {  	s13 =	sadd.s32 $0x80, s13;
	v27 =	vld [tilespmem:s15+$0xFFFFFFF0];
	[tilespmem:v28+s30+$0x0] =	vst.idx.msk vm0, v23;
	vm0 =	veq.s32 v29, v11  }
0xbe: {  	s12 =	sadd.s32 $0x80, s12;
	v23 =	vld [tilespmem:s13+$0x30];
	[tilespmem:v18+s30+$0x0] =	vst.idx.msk vm1, v17  }
0xbf: {  	s16 =	sadd.s32 $0xFFFFFFA0, s12;
	s17 =	sadd.s32 $0xFFFFFFB0, s12;
	s18 =	sadd.s32 $0xFFFFFFC0, s12;
	v18 =	vmov s12;
	v17 =	vld [tilespmem:s15+$0x0];
	[tilespmem:v19+s30+$0x0] =	vst.idx.msk vm5, v15  }
0xc0: {  	s19 =	sadd.s32 $0xFFFFFFF0, s12;
	v15 =	vmov s16;
	v19 =	vmov s17;
	s16 =	sadd.s32 $0xFFFFFFD0, s12;
	s17 =	sadd.s32 $0xFFFFFFE0, s12;
	v18 =	vshrl.u32 v18, $0x7;
	v28 =	vld [tilespmem:s15+$0x10];
	[tilespmem:v16+s30+$0x0] =	vst.idx.msk vm4, v13  }
0xc1: {  	s20 =	sadd.s32 $0xFFFFFF90, s12;
	v13 =	vmov s18;
	v16 =	vmov s16;
	v18 =	vshll.u32 v18, v2;
	v29 =	vld.idx.msk [tilespmem:v30+s3+$0x0], $0xffff;
	[tilespmem:v21+s30+$0x0] =	vst.idx.msk vm3, v14  }
0xc2: {  	v14 =	vmov s20;
	v21 =	vmov s17;
	v18 =	vbroadcast v18, $0x0;
	v30 =	vld [tilespmem:s15+$0x20];
	[tilespmem:v20+s30+$0x0] =	vst.idx.msk vm2, v12  }
0xc3: {  	v14 =	vshrl.u32 v14, $0x7;
	v20 =	vmov s19;
	v12 =	vld.idx.msk [tilespmem:v31+s3+$0x0], $0xffff;
	vm1 =	veq.s32 v23, v11;
	[tilespmem:v22+s30+$0x0] =	vst.idx.msk vm0, v24  }
0xc4: {  	v15 =	vshrl.u32 v15, $0x7;
	v19 =	vshrl.u32 v19, $0x7;
	v23 =	vor.u32 v9, v18;
	v22 =	vld.idx.msk [tilespmem:v25+s3+$0x0], $0xffff  }
0xc5: {  	v13 =	vshrl.u32 v13, $0x7;
	v16 =	vshrl.u32 v16, $0x7;
	v18 =	vshrl.u32 v21, $0x7;
	v25 =	vld.idx.msk [tilespmem:v26+s3+$0x0], $0xffff  }
0xc6: {  	v15 =	vshll.u32 v15, v2;
	v14 =	vshll.u32 v14, v2;
	v20 =	vshrl.u32 v20, $0x7;
	v26 =	vld.idx.msk [tilespmem:v27+s3+$0x0], $0xffff  }
0xc7: {  	v19 =	vshll.u32 v19, v2;
	v13 =	vshll.u32 v13, v2;
	vm0 =	veq.s32 v29, v10;
	v27 =	vld.idx.msk [tilespmem:v17+s3+$0x0], $0xffff  }
0xc8: {  	v24 =	vshll.u32 v18, v2;
	v17 =	vshll.u32 v16, v2;
	v16 =	vsel vm0, $0x1, v0;
	v28 =	vld.idx.msk [tilespmem:v28+s3+$0x0], $0xffff  }
0xc9: {  	v31 =	vbroadcast v14, $0x0;
	v18 =	vbroadcast v15, $0x0;
	v14 =	vshll.u32 v20, v2;
	v29 =	vld [tilespmem:s13+$0xFFFFFFC0];
	[tilespmem:v23+s30+$0x0] =	vst.idx.msk vm1, v16  }
0xca: {  	v19 =	vbroadcast v19, $0x0;
	vm0 =	veq.s32 v12, v10;
	v16 =	vbroadcast v13, $0x0;
	v30 =	vld.idx.msk [tilespmem:v30+s3+$0x0], $0xffff  }
0xcb: {  	v20 =	vbroadcast v24, $0x0;
	v21 =	vbroadcast v17, $0x0;
	vm1 =	veq.s32 v22, v10;
	v32 =	vld [tilespmem:s13+$0xFFFFFFD0]  }
.Ltmp5:
0xcc: {  	v22 =	vbroadcast v14, $0x0;
	vm2 =	veq.s32 v25, v10;
	vm3 =	veq.s32 v26, v10;
	v24 =	vld [tilespmem:s13+$0xFFFFFFE0];
	(pc) =	sbr.rel @p1 .LBB2_10-.Ltmp5, $4  }
0xcd: {  	v23 =	vsel vm0, $0x1, v0;
	v17 =	vsel vm1, $0x1, v0;
	vm1 =	veq.s32 v27, v10;
	v25 =	vld [tilespmem:s13+$0xFFFFFFF0]  }
0xce: {  	v15 =	vsel vm2, $0x1, v0;
	v13 =	vsel vm3, $0x1, v0;
	vm2 =	veq.s32 v28, v10;
	v26 =	vld [tilespmem:s13+$0x0]  }
0xcf: {  	v14 =	vsel vm1, $0x1, v0;
	vm0 =	veq.s32 v29, v11;
	v12 =	vsel vm2, $0x1, v0;
	v27 =	vld [tilespmem:s13+$0x10]  }
0xd0: {  	s15 =	sadd.s32 $0x80, s15;
	v28 =	vor.u32 v1, v31;
	vm2 =	veq.s32 v30, v10;
	vm1 =	veq.s32 v32, v11;
	v29 =	vld [tilespmem:s13+$0x20]  }
0xd1: {  	_ = 	snop  }
0xd2: {  	v10 =	vor.u32 v3, v18;
	vm3 =	veq.s32 v24, v11  }
0xd3: {  	v62 =	vor.u32 v4, v19;
	vm4 =	veq.s32 v25, v11  }
0xd4: {  	v16 =	vor.u32 v5, v16;
	vm5 =	veq.s32 v26, v11  }
0xd5: {  	v63 =	vor.u32 v6, v21;
	vm6 =	veq.s32 v27, v11  }
0xd6: {  	v20 =	vor.u32 v7, v20;
	[tilespmem:v28+s30+$0x0] =	vst.idx.msk vm0, v23;
	vm15 =	veq.s32 v29, v11  }
0xd7: {  	[tilespmem:v10+s30+$0x0] =	vst.idx.msk vm1, v17;
	v10 =	vor.u32 v8, v22  }
0xd8: {  	[tilespmem:v62+s30+$0x0] =	vst.idx.msk vm3, v15  }
0xd9: {  	[tilespmem:v16+s30+$0x0] =	vst.idx.msk vm4, v13  }
0xda: {  	[tilespmem:v63+s30+$0x0] =	vst.idx.msk vm5, v14  }
0xdb: {  	v11 =	vsel vm2, $0x1, v0;
	[tilespmem:v20+s30+$0x0] =	vst.idx.msk vm6, v12  }
0xdc: {  	[tilespmem:v10+s30+$0x0] =	vst.idx.msk vm15, v11  }
0xdd: {  	p1 =	seq.s32 s2, s8  }
.Ltmp6:
0xde: {  	_ = 	snop;
	(pc) =	sbr.rel @!p1 .LBB2_7-.Ltmp6, $4  }
.Ltmp7:
0xdf: {  	_ = 	snop;
	(pc) =	sbr.rel @p1 .LBB2_4-.Ltmp7, $4  }
0xe0: {  	_ = 	snop  }
0xe1: {  	_ = 	snop  }
0xe2: {  	p0 =	por !p0, !p0  }
0xe3: {  	_ = 	snop  }
.LBB2_5:
0xe4: {  	_ =	sfence.sel $0x180000  }
0xe5: {  	[bflag:$0x0] =	sbarrier.arrive $0xFFFF  }
0xe6: {  	_ =	strace $0x90000047  }
0xe7: {  	s0 =	stileid.u32;
	[bflag:$0x2] =	sbarrier.arrive $0xFFFF  }
0xe8: {  	p0 =	sne.s32 s0, $0x0;
	s0 =	rddreg [dreg:$0x4]  }
0xe9: {  	s0 =	sadd.s32 @!p0 $0x100000, s0  }
0xea: {  	[sflag:s0] =	ssyncadd.tile.s32 @!p0 $0x1;
	_ =	shalt  }
.Lfunc_end2:
_tile_overlayer_lowered:
.L_overlay_start_2:
0xeb: {  	(tag) =	ssettag $0x2  }
0xec: {  	s0 =	rddreg [dreg:$0x0];
	s2 =	stileid.u32  }
0xed: {  	s1 =	rddreg [dreg:$0x1];
	p0 =	sne.s32 s2, $0x0  }
0xee: {  	s3 =	rddreg [dreg:$0x2];
	[bflag:$0x3] =	sbarrier.arrive $0xFFFF;
	s2 =	simm.s32 @!p0 $0x1C04  }
0xef: {  	[timem:s3], [sflag:s2] =	dma.local @!p0 [hbm:s0], s1  }
0xf0: {  	s0 =	simm.s32 @!p0 $0x4  }
0xf1: {  	_ =	swait.ge @!p0 [sflag:s0], s1  }
0xf2: {  	s1 =	ssub.s32 @!p0 $0x0, s1;
	[sflag:s0] =	ssyncset.done @!p0 $0x0  }
0xf3: {  	[sflag:s0] =	ssyncadd.s32 @!p0 s1  }
0xf4: {  	[bflag:$0x3] =	sbarrier.arrive $0xFFFF  }
0xf5: {  	_ =	shalt  }

</sc_bundles>
